<compile_context>
chip_gen: v7x
topology: tpu7x:2x2x1
jax: 0.10.2.dev20260603
libtpu: 0.0.44.dev20260713+nightly
codegen_flags: <defaults>
</compile_context>

<pallas_src>
import jax
import jax.numpy as jnp
from jax.experimental import pallas as pl
from jax.experimental.pallas import tpu as pltpu

S_BLK = 512


def _proj_kernel(tok_ref, feat_ref, w_ref, b_ref, out_ref):
    acc = jax.lax.dot_general(
        feat_ref[:].astype(jnp.bfloat16), w_ref[0].astype(jnp.bfloat16),
        dimension_numbers=(((1,), (1,)), ((), ())),
        preferred_element_type=jnp.float32,
    )
    out_ref[:] = acc + b_ref[0]


def kernel(feat, tgt_lang_toks, W, b):
    S, B, C = feat.shape
    E, E_dim, _ = W.shape
    toks = tgt_lang_toks.astype(jnp.int32)

    feat2 = feat.reshape(S, B * C)
    b3 = b.reshape(E, 1, E_dim)

    grid_spec = pltpu.PrefetchScalarGridSpec(
        num_scalar_prefetch=1,
        grid=(B, S // S_BLK),
        in_specs=[
            pl.BlockSpec((S_BLK, C), lambda j, s, tok: (s, j)),
            pl.BlockSpec((1, E_dim, C), lambda j, s, tok: (tok[j], 0, 0)),
            pl.BlockSpec((1, 1, E_dim), lambda j, s, tok: (tok[j], 0, 0)),
        ],
        out_specs=pl.BlockSpec((S_BLK, E_dim), lambda j, s, tok: (s, j)),
    )

    out2 = pl.pallas_call(
        _proj_kernel,
        grid_spec=grid_spec,
        out_shape=jax.ShapeDtypeStruct((S, B * E_dim), feat.dtype),
    )(toks, feat2, W, b3)
    return out2.reshape(S, B, E_dim)

# --- scband reference (transcript-rebuilt; emitter-appended) ---
"""Pipeline reference for scband-separate-projection-layer-41661182771240 (READ-ONLY COPY).

The authoritative reference and input builder live on the scoring server;
editing this copy changes nothing except your own understanding.
"""

import jax, jax.numpy as jnp
import numpy as np

E = 8
FEAT_CHANNEL = 768
EMBED_DIM = 768
SEQ = 2048
BATCH = 32


def setup_inputs(seed: int = 0) -> dict:
    key = jax.random.key(seed)
    k_feat, k_tok, k_w, k_b = jax.random.split(key, 4)
    feat = jax.random.normal(k_feat, (SEQ, BATCH, FEAT_CHANNEL), dtype=jnp.float32)
    tgt_lang_toks = jax.random.randint(k_tok, (BATCH,), 0, E, dtype=jnp.int64)
    # Stacked per-language Linear params: W[e] is [embed_dim, feat_channel], b[e] is [embed_dim]
    W = jax.random.normal(k_w, (E, EMBED_DIM, FEAT_CHANNEL), dtype=jnp.float32) * 0.02
    b = jax.random.normal(k_b, (E, EMBED_DIM), dtype=jnp.float32) * 0.02
    return {"feat": feat, "tgt_lang_toks": tgt_lang_toks, "W": W, "b": b}


def reference(feat, tgt_lang_toks, W, b):
    # Faithful translation of SeparateProjectionLayer.forward:
    # densed_feat = zeros(S, B, embed_dim); for each language token, project the
    # matching batch columns with that language's Linear and write them back.
    # Masks are disjoint (each column matches exactly one token), so where-select
    # over per-expert projections reproduces the scatter-overwrite exactly.
    S, B, _ = feat.shape
    out = jnp.zeros((S, B, EMBED_DIM), dtype=feat.dtype)
    for tok in range(E):
        proj = jnp.einsum("sbc,ec->sbe", feat, W[tok]) + b[tok]
        is_matched = (tgt_lang_toks == tok)[None, :, None]
        out = jnp.where(is_matched, proj, out)
    return out

if __name__ == "__main__":
    import jax
    _d = setup_inputs()
    print(jax.jit(kernel)(*tuple(_d.values())))

</pallas_src>

<mosaic_0001>
module attributes {stable_mosaic.version = 14 : i64} {
  func.func @_proj_kernel(%arg0: i32, %arg1: i32, %arg2: memref<32xi32, #tpu.memory_space<smem>>, %arg3: memref<512x768xf32, #tpu.memory_space<vmem>>, %arg4: memref<1x768x768xf32, #tpu.memory_space<vmem>>, %arg5: memref<1x1x768xf32, #tpu.memory_space<vmem>>, %arg6: memref<512x768xf32, #tpu.memory_space<vmem>>) attributes {dimension_semantics = [#tpu.dimension_semantics<arbitrary>, #tpu.dimension_semantics<arbitrary>], iteration_bounds = array<i64: 32, 4>, scalar_prefetch = 1 : i64, scratch_operands = 0 : i64, tpu.core_type = #tpu.core_type<tc>, window_params = [{transform_indices = @transform_0, window_bounds = array<i64: 512, 768>}, {transform_indices = @transform_1, window_bounds = array<i64: 1, 768, 768>}, {transform_indices = @transform_2, window_bounds = array<i64: 1, 1, 768>}, {transform_indices = @transform_3, window_bounds = array<i64: 512, 768>}]} {
    %get3A = arith.constant 0 : index
    %get3A_0 = arith.constant 0 : index
    %get3A_1 = vector.load %arg3[%get3A, %get3A_0] : memref<512x768xf32, #tpu.memory_space<vmem>>, vector<512x768xf32>
    %convert_element_type3A = arith.truncf %get3A_1 : vector<512x768xf32> to vector<512x768xbf16>
    %get3A_2 = arith.constant 0 : index
    %get3A_3 = arith.constant 0 : index
    %get3A_4 = arith.constant 0 : index
    %get3A_5 = vector.load %arg4[%get3A_2, %get3A_3, %get3A_4] : memref<1x768x768xf32, #tpu.memory_space<vmem>>, vector<1x768x768xf32>
    %get3A_6 = vector.shape_cast %get3A_5 : vector<1x768x768xf32> to vector<768x768xf32>
    %convert_element_type3A_7 = arith.truncf %get3A_6 : vector<768x768xf32> to vector<768x768xbf16>
    %dot_general3A = arith.constant dense<0.000000e+00> : vector<512x768xf32>
    %dot_general3A_8 = tpu.matmul %convert_element_type3A, %convert_element_type3A_7, %dot_general3A {dimension_numbers = #tpu.dot_dimension_numbers<[1], [1], [0], [0], [0, 0, 1, 0], [], []>, transpose_lhs_hint = false} : vector<512x768xbf16>, vector<768x768xbf16>, vector<512x768xf32> -> vector<512x768xf32>
    %get3A_9 = arith.constant 0 : index
    %get3A_10 = arith.constant 0 : index
    %get3A_11 = arith.constant 0 : index
    %get3A_12 = vector.load %arg5[%get3A_9, %get3A_10, %get3A_11] : memref<1x1x768xf32, #tpu.memory_space<vmem>>, vector<1x1x768xf32>
    %get3A_13 = vector.shape_cast %get3A_12 : vector<1x1x768xf32> to vector<1x768xf32>
    %add3A = vector.broadcast %get3A_13 : vector<1x768xf32> to vector<512x768xf32>
    %add3A_14 = arith.addf %dot_general3A_8, %add3A : vector<512x768xf32>
    %swap3A = arith.constant 0 : index
    %swap3A_15 = arith.constant 0 : index
    %swap3A_16 = vector.load %arg6[%swap3A, %swap3A_15] : memref<512x768xf32, #tpu.memory_space<vmem>>, vector<512x768xf32>
    tpu.vector_store %arg6[%swap3A, %swap3A_15], %add3A_14 {strides = array<i32>} : memref<512x768xf32, #tpu.memory_space<vmem>>, vector<512x768xf32>,
    return
  }
  func.func @transform_0(%arg0: i32, %arg1: i32, %arg2: memref<32xi32, #tpu.memory_space<smem>>) -> (i32, i32) {
    %c0_i32 = arith.constant 0 : i32
    return %arg1, %arg0 : i32, i32
  }
  func.func @transform_1(%arg0: i32, %arg1: i32, %arg2: memref<32xi32, #tpu.memory_space<smem>>) -> (i32, i32, i32) {
    %get3A = arith.index_cast %arg0 : i32 to index
    %get3A_0 = memref.load %arg2[%get3A] : memref<32xi32, #tpu.memory_space<smem>>
    %c0_i32 = arith.constant 0 : i32
    %c0_i32_1 = arith.constant 0 : i32
    %c0_i32_2 = arith.constant 0 : i32
    return %get3A_0, %c0_i32, %c0_i32_1 : i32, i32, i32
  }
  func.func @transform_2(%arg0: i32, %arg1: i32, %arg2: memref<32xi32, #tpu.memory_space<smem>>) -> (i32, i32, i32) {
    %get3A = arith.index_cast %arg0 : i32 to index
    %get3A_0 = memref.load %arg2[%get3A] : memref<32xi32, #tpu.memory_space<smem>>
    %c0_i32 = arith.constant 0 : i32
    %c0_i32_1 = arith.constant 0 : i32
    %c0_i32_2 = arith.constant 0 : i32
    return %get3A_0, %c0_i32, %c0_i32_1 : i32, i32, i32
  }
  func.func @transform_3(%arg0: i32, %arg1: i32, %arg2: memref<32xi32, #tpu.memory_space<smem>>) -> (i32, i32) {
    %c0_i32 = arith.constant 0 : i32
    return %arg1, %arg0 : i32, i32
  }
}

</mosaic_0001>

<sc_bundles>
// kernel: sparse-core-data-format-call.1.cloned.1.call-start
scs
called_computation.1_lowered:
.L_overlay_start_0:
0x0: {  	s2 =	sld [smem:$0x3FD9]  }
0x1: {  	s3 =	sld [smem:$0x3FFE];
	_ =	sdelay $0x1  }
0x2: {  	s1 =	srdreg.scid  }
0x3: {  	s0 =	sand.u32 $0x1, s1  }
0x4: {  	s19 =	sshll.u32 s0, $0xA;
	s2 =	sadd.s32 s3, s2  }
0x5: {  	s2 =	sadd.s32 s2, s19  }
0x6: {  	[smem:$0x3FC4] =	sst s2  }
0x7: {  	_ = 	snop  }
0x8: {  	s2 =	sld [smem:$0x3FC9]  }
0x9: {  	s20 =	sld [smem:$0x3FD0];
	(tm) =	ssettm $0x1  }
0xa: {  	s4 =	sld [smem:$0x3FFB];
	_ =	sdelay $0x3  }
0xb: {  	_ =	strace s4  }
0xc: {  	s4 =	sld [smem:$0x3FFC];
	_ =	sdelay $0x3  }
0xd: {  	_ =	strace s4  }
0xe: {  	s4 =	sld [smem:$0x3FFD];
	_ =	sdelay $0x3  }
0xf: {  	_ =	strace s4  }
0x10: {  	_ =	strace $0x8FFFFFFF  }
0x11: {  	s21 =	sld [smem:$0x3FDB];
	_ =	sdelay $0x1  }
0x12: {  	s5 =	simm.s32 $_scs_section_size  }
0x13: {  	s6 =	simm.s32 $_size__tile_overlayer_lowered;
	s7 =	simm.s32 $_tile_overlayer_lowered  }
0x14: {  	s24 =	simm.s32 $0x1BFF;
	s23 =	sshll.u32 s7, $0x1;
	s4 =	sadd.s32 s5, s21  }
0x15: {  	s8 =	simm.s32 $0x0;
	s22 =	sshll.u32 s6, $0x1;
	s6 =	sadd.s32 s23, s4  }
0x16: {  	[timem:s8], [sflag:s24] =	dma.local [hbm:s6], s22  }
0x17: {  	_ =	swait.ge [sflag:s24], s22  }
0x18: {  	s5 =	ssub.s32 $0x0, s22;
	[sflag:s24] =	ssyncset.done $0x0  }
0x19: {  	[sflag:s24] =	ssyncadd.s32 s5;
	_ =	sdelay $0x1  }
0x1a: {  	s25 =	simm.s32 $0x1B8B  }
0x1b: {  	_ =	swait.ge [sflag:s25], $0x1  }
0x1c: {  	[sflag:s25] =	ssyncset.done $0x0  }
0x1d: {  	s26 =	simm.s32 $0x1B8E;
	[sflag:s25] =	ssyncadd.s32 $0xFFFFFFFF  }
0x1e: {  	s27 =	simm.s32 $execute0_lowered;
	[smem:$0x3FD2] =	sst s26  }
0x1f: {  	s5 =	sshll.u32 s27, $0x1;
	_ =	strace $0x80000046;
	[dreg:$0x1] =	wrdreg $0xFFFFFFFF  }
0x20: {  	s28 =	simm.s32 $_size_execute0_lowered;
	s4 =	sadd.s32 s4, s5;
	[dreg:$0x0] =	wrdreg $0x0  }
0x21: {  	s5 =	sshll.u32 s28, $0x1;
	[dreg:$0x2] =	wrdreg s4  }
0x22: {  	[dreg:$0x3] =	wrdreg s5  }
0x23: {  	[dreg:$0x4] =	wrdreg $0xC0  }
0x24: {  	_ =	task [dreg:s8], $0x5FFFF  }
0x25: {  	[dreg:$0x1] =	wrdreg $0xFFFFFFFF  }
0x26: {  	[dreg:$0x0] =	wrdreg $0x60  }
0x27: {  	[dreg:$0x2] =	wrdreg s2  }
0x28: {  	[dreg:$0x3] =	wrdreg s20  }
0x29: {  	[dreg:$0x4] =	wrdreg $0x9  }
0x2a: {  	_ =	task.clear_ibuf [dreg:s8], $0x5FFFF;
	_ =	strace $0x90000046  }
0x2b: {  	s29 =	simm.s32 $0x9;
	_ =	strace $0x80000048  }
0x2c: {  	_ =	swait.ge [sflag:s29], $0x1  }
0x2d: {  	[sflag:s29] =	ssyncadd.s32 $0xFFFFFFFF  }
0x2e: {  	_ =	strace $0x90000048  }
0x2f: {  	_ =	sfence  }
0x30: {  	s30 =	sld [smem:$0x0];
	_ =	sdelay $0x2  }
0x31: {  	s31 =	sshll.u32 s1, $0xD;
	s1 =	sshrl.u32 s1, $0x2  }
0x32: {  	s3 =	sand.u32 $0x4000, s31;
	s1 =	sadd.s32 s1, s30  }
0x33: {  	s0 =	sor.u32 s3, s0;
	s1 =	sshll.u32 s1, $0x11  }
0x34: {  	s0 =	sor.u32 s1, s0  }
0x35: {  	s0 =	sadd.s32 $0x8F2B, s0  }
0x36: {  	[sflag:s0] =	ssyncadd.remote.s32 $0x1  }
0x37: {  	_ =	sfence.sel $0xFFFF  }
0x38: {  	[dreg:$0x0] =	wrdreg $0xFFFFFFFF;
	(pc) =	sbr.abs _section_cstart, $3  }
0x39: {  	[dreg:$0x1] =	wrdreg $0xFFFFFFFF  }
0x3a: {  	_ =	task.clear_ibuf [dreg:s8], $0x2FFFF;
	_ =	strace $0x9FFFFFFF  }
0x3b: {  	(tm) =	ssettm $0x7FFFFFFF  }
tec
execute0_lowered:
.L_overlay_start_1:
0x0: {  	(tag) =	ssettag $0x1  }
0x1: {  	s2 =	rddreg [dreg:$0x0]  }
0x2: {  	s3 =	rddreg [dreg:$0x1]  }
0x3: {  	s0 =	rddreg [dreg:$0x2];
	_ =	strace $0x80000047  }
0x4: {  	s4 =	srdreg.scid;
	s1 =	stileid.u32;
	s6 =	simm.s32 $0x2  }
0x5: {  	s13 =	simm.s32 $0x0;
	p0 =	por $0x0, $0x0;
	s12 =	simm.s32 $0x0  }
.Ltmp0:
0x6: {  	s15 =	simm.s32 $0x0;
	s14 =	simm.s32 $0x0;
	(pc) =	sbr.rel .LBB1_1-.Ltmp0, $4  }
0x7: {  	s8 =	simm.s32 $0x0;
	s9 =	simm.s32 $0x0;
	s5 =	sshll.u32 s4, $0x4  }
0x8: {  	s10 =	simm.s32 $0x0;
	s4 =	simm.s32 $0x1;
	s5 =	sand.u32 $0x10, s5  }
0x9: {  	s7 =	simm.s32 $0x0;
	[sflag:s4] =	ssyncpa.u1 $0x0;
	s5 =	sor.u32 s1, s5  }
0xa: {  	[sflag:s6] =	ssyncpa.u1 $0x0;
	s6 =	simm.s32 $0x1800;
	s11 =	smov.u32 s5  }
.LBB1_7:
0xb: {  	s16 =	sadd.s32 $0x80, s8  }
0xc: {  	s12 =	sadd.s32 $0x20, s9;
	s17 =	smov.u32 s9;
	p2 =	sgt.s32 s16, $0x2FF  }
0xd: {  	s17 =	smov.u32 @p2 s12  }
0xe: {  	s18 =	smov.u32 s10;
	s12 =	sadd.s32 $0x4, s10;
	p3 =	sgt.s32 s17, $0x1F  }
0xf: {  	s18 =	smov.u32 @p3 s12  }
0x10: {  	s19 =	smov.u32 s11;
	s12 =	sadd.s32 $0x20, s11;
	p4 =	sgt.s32 s18, $0x7  }
0x11: {  	p1 =	slt.u32 s7, $0x2;
	s19 =	smov.u32 @p4 s12  }
0x12: {  	s7 =	sadd.s32 $0x1, s7;
	s16 =	simm.s32 @p2 $0x0;
	p2 =	sgt.s32 s19, $0xFF  }
0x13: {  	s13 =	smov.u32 s8;
	s19 =	smov.u32 @p2 s5;
	p2 =	sne.s32 s7, $0x62  }
.Ltmp1:
0x14: {  	s15 =	smov.u32 s10;
	s20 =	simm.s32 @!p1 $0x2;
	(pc) =	sbr.rel @!p2 .LBB1_8-.Ltmp1, $4  }
0x15: {  	s14 =	smov.u32 s11;
	p0 =	por !p0, !p0;
	_ =	swait.ge @!p1 [sflag:s20], $0x4000  }
0x16: {  	[sflag:s20] =	ssyncset.done @!p1 $0x0;
	s8 =	smov.u32 s16;
	s17 =	simm.s32 @p3 $0x0  }
0x17: {  	[sflag:s20] =	ssyncadd.s32 @!p1 $0xFFFFC000;
	s18 =	simm.s32 @p4 $0x0;
	s12 =	smov.u32 s9  }
0x18: {  	s9 =	smov.u32 s17;
	s10 =	smov.u32 s18;
	s11 =	smov.u32 s19  }
.LBB1_1:
0x19: {  	p1 =	sgt.u32 s7, $0x5F  }
0x1a: {  	s16 =	sshrl.u32 @!p1 s9, $0x3  }
0x1b: {  	s17 =	sshll.u32 @!p1 s8, $0x3;
	s16 =	smul.u32 @!p1 $0x1800, s16  }
0x1c: {  	s18 =	sshll.u32 @!p1 s9, $0x7;
	s17 =	sand.u32 @!p1 $0xFFFFFC00, s17  }
0x1d: {  	s16 =	sadd.s32 @!p1 s16, s17;
	s17 =	sand.u32 @!p1 $0x380, s18  }
0x1e: {  	s18 =	sand.u32 @!p1 $0x7F, s8;
	s16 =	sor.u32 @!p1 s17, s16  }
0x1f: {  	s17 =	sor.u32 @!p1 s18, s16  }
0x20: {  	s18 =	smulhi.u32 @!p1 $0xAAAAAAAB, s17  }
0x21: {  	s16 =	smulhi.u32 @!p1 $0xAAAAAAAB, s16  }
0x22: {  	s20 =	smul.u32 @!p1 $0x6000, s11;
	s18 =	sshrl.u32 @!p1 s18, $0x9  }
0x23: {  	s19 =	sxor.u32 @!p1 $0xFFFFFFFF, s7;
	s16 =	sshrl.u32 @!p1 s16, $0x9;
	s18 =	smul.u32 @!p1 $0x300, s18  }
0x24: {  	s21 =	smul.u32 @!p1 $0xC00, s10;
	s19 =	sshll.u32 @!p1 s19, $0xE;
	s16 =	sand.u32 @!p1 $0x1F, s16  }
0x25: {  	s16 =	smul.u32 @!p1 $0x60, s16;
	s17 =	ssub.s32 @!p1 s17, s18;
	s18 =	sadd.s32 @!p1 s2, s20  }
0x26: {  	s19 =	sand.u32 @!p1 $0x4000, s19;
	s18 =	sadd.s32 @!p1 s21, s18;
	s20 =	sand.u32 @!p1 $0x7, s17  }
0x27: {  	s17 =	sshrl.u32 @!p1 s17, $0x3;
	s16 =	sadd.s32 @!p1 s16, s18;
	s18 =	sshll.u32 @!p1 s20, $0x12  }
0x28: {  	s16 =	sadd.s32 @!p1 s17, s16;
	s17 =	sor.u32 @!p1 $0x400, s18;
	s18 =	simm.s32 @!p1 $0x1800  }
0x29: {  	[tilespmem:s19], [sflag:$0x1] =	stream.strided.gather @!p1 [hbm4b:s16+s17], $0x4000, s18, s17, $0x38;
	[tilespmem:$0x10000] =	vst v63  }
0x2a: {  	p1 =	seq.s32 s7, $0x0  }
0x2b: {  	p2 =	seq.s32 @!p1 s7, $0x61  }
0x2c: {  	p1 =	por p1, p2  }
.Ltmp2:
0x2d: {  	_ = 	snop;
	(pc) =	sbr.rel @p1 .LBB1_7-.Ltmp2, $1  }
0x2e: {  	_ =	sdelay $0x3  }
0x2f: {  	s16 =	simm.s32 $0x1;
	_ =	swait.ge [sflag:s4], $0x4000;
	s19 =	sshll.u32 s7, $0xE  }
0x30: {  	s16 =	simm.s32 @!p0 $0x0;
	[sflag:s4] =	ssyncset.done $0x0;
	s31 =	sand.u32 $0x4000, s19  }
0x31: {  	s19 =	simm.s32 $0x0;
	s16 =	sshll.u32 s16, $0xE;
	[sflag:s4] =	ssyncadd.s32 $0xFFFFC000  }
0x32: {  	s17 =	sor.u32 $0x8040, s16;
	s18 =	sor.u32 $0x40, s16;
	s16 =	sor.u32 $0x8000, s31  }
.LBB1_3:
0x33: {  	v0 =	vmov s18;
	_ =	sdelay $0x3  }
0x34: {  	s21 =	simm.s32 $0x0  }
0x35: {  	v6 =	vld.idx.msk [tilespmem:v0+s21+$0x30 ss:$0x1], $0xffff  }
0x36: {  	v7 =	vld.idx.msk [tilespmem:v0+s21+$0xFFFFFFC0 ss:$0x1], $0xffff  }
0x37: {  	v5 =	vld.idx.msk [tilespmem:v0+s21+$0xFFFFFFD0 ss:$0x1], $0xffff  }
0x38: {  	v4 =	vld.idx.msk [tilespmem:v0+s21+$0xFFFFFFE0 ss:$0x1], $0xffff  }
0x39: {  	v3 =	vld.idx.msk [tilespmem:v0+s21+$0xFFFFFFF0 ss:$0x1], $0xffff  }
0x3a: {  	v1 =	vld.idx.msk [tilespmem:v0+s21+$0x0 ss:$0x1], $0xffff  }
0x3b: {  	v2 =	vld.idx.msk [tilespmem:v0+s21+$0x10 ss:$0x1], $0xffff;
	[tilespmem:s17+$0x30] =	vst v6  }
0x3c: {  	s20 =	simm.s32 $0x80;
	s22 =	simm.s32 $0x400;
	[tilespmem:s17+$0xFFFFFFC0] =	vst v7;
	v6 =	vld.idx.msk [tilespmem:v0+s21+$0x20 ss:$0x1], $0xffff;
	s21 =	smov.u32 s17  }
.LBB1_4:
0x3d: {  	p1 =	sne.s32 s22, $0x3E00;
	v7 =	vld.idx.msk [tilespmem:v0+s20+$0x30 ss:$0x1], $0xffff;
	[tilespmem:s21+$0xFFFFFFD0] =	vst v5  }
0x3e: {  	v8 =	vld.idx.msk [tilespmem:v0+s20+$0xFFFFFFC0 ss:$0x1], $0xffff;
	[tilespmem:s21+$0xFFFFFFE0] =	vst v4  }
0x3f: {  	v5 =	vld.idx.msk [tilespmem:v0+s20+$0xFFFFFFD0 ss:$0x1], $0xffff;
	[tilespmem:s21+$0xFFFFFFF0] =	vst v3  }
.Ltmp3:
0x40: {  	v4 =	vld.idx.msk [tilespmem:v0+s20+$0xFFFFFFE0 ss:$0x1], $0xffff;
	[tilespmem:s21+$0x0] =	vst v1;
	(pc) =	sbr.rel @p1 .LBB1_4-.Ltmp3, $4  }
0x41: {  	v3 =	vld.idx.msk [tilespmem:v0+s20+$0xFFFFFFF0 ss:$0x1], $0xffff;
	[tilespmem:s21+$0x10] =	vst v2  }
0x42: {  	v1 =	vld.idx.msk [tilespmem:v0+s20+$0x0 ss:$0x1], $0xffff;
	[tilespmem:s21+$0x20] =	vst v6;
	s21 =	sadd.s32 $0x200, s21  }
0x43: {  	v2 =	vld.idx.msk [tilespmem:v0+s20+$0x10 ss:$0x1], $0xffff;
	[tilespmem:s21+$0x30] =	vst v7  }
0x44: {  	[tilespmem:s21+$0xFFFFFFC0] =	vst v8;
	v6 =	vld.idx.msk [tilespmem:v0+s20+$0x20 ss:$0x1], $0xffff;
	s20 =	sshra.s32 s22, $0x2;
	s22 =	sadd.s32 $0x200, s22  }
0x45: {  	_ =	sdelay $0x2  }
0x46: {  	[tilespmem:s21+$0xFFFFFFD0] =	vst v5  }
0x47: {  	v56 =	vld.idx.msk [tilespmem:v0+s20+$0x30 ss:$0x1], $0xffff;
	[tilespmem:s21+$0xFFFFFFE0] =	vst v4  }
0x48: {  	v57 =	vld.idx.msk [tilespmem:v0+s20+$0xFFFFFFC0 ss:$0x1], $0xffff;
	[tilespmem:s21+$0xFFFFFFF0] =	vst v3  }
0x49: {  	v58 =	vld.idx.msk [tilespmem:v0+s20+$0xFFFFFFD0 ss:$0x1], $0xffff;
	[tilespmem:s21+$0x0] =	vst v1  }
0x4a: {  	v59 =	vld.idx.msk [tilespmem:v0+s20+$0xFFFFFFE0 ss:$0x1], $0xffff;
	[tilespmem:s21+$0x10] =	vst v2  }
0x4b: {  	v60 =	vld.idx.msk [tilespmem:v0+s20+$0xFFFFFFF0 ss:$0x1], $0xffff;
	s31 =	sadd.s32 $0x200, s21;
	[tilespmem:s21+$0x20] =	vst v6  }
0x4c: {  	v61 =	vld.idx.msk [tilespmem:v0+s20+$0x0 ss:$0x1], $0xffff;
	[tilespmem:s31+$0x30] =	vst v56  }
0x4d: {  	v62 =	vld.idx.msk [tilespmem:v0+s20+$0x10 ss:$0x1], $0xffff;
	s19 =	sadd.s32 $0x1, s19;
	[tilespmem:s31+$0xFFFFFFC0] =	vst v57  }
0x4e: {  	v63 =	vld.idx.msk [tilespmem:v0+s20+$0x20 ss:$0x1], $0xffff;
	p1 =	sne.s32 s19, $0x4;
	[tilespmem:s31+$0xFFFFFFD0] =	vst v58  }
.Ltmp4:
0x4f: {  	[tilespmem:s31+$0xFFFFFFE0] =	vst v59;
	(pc) =	sbr.rel @p1 .LBB1_3-.Ltmp4, $4  }
0x50: {  	[tilespmem:s31+$0xFFFFFFF0] =	vst v60  }
0x51: {  	[tilespmem:s31+$0x0] =	vst v61  }
0x52: {  	[tilespmem:s31+$0x10] =	vst v62  }
0x53: {  	s17 =	sadd.s32 $0x80, s17;
	s18 =	sadd.s32 $0x1000, s18;
	[tilespmem:s31+$0x20] =	vst v63  }
0x54: {  	s17 =	sshrl.u32 s15, $0x3  }
0x55: {  	s18 =	sshll.u32 s13, $0x3;
	s17 =	smul.u32 $0x1800, s17  }
0x56: {  	s27 =	sshll.u32 s15, $0x7;
	s18 =	sand.u32 $0xFFFFFC00, s18  }
0x57: {  	s15 =	sand.u32 $0x380, s27;
	s17 =	sadd.s32 s17, s18  }
0x58: {  	s28 =	sand.u32 $0x7F, s13;
	s15 =	sor.u32 s15, s17  }
0x59: {  	s13 =	sor.u32 s28, s15;
	s15 =	smulhi.u32 $0xAAAAAAAB, s15  }
0x5a: {  	s29 =	smulhi.u32 $0xAAAAAAAB, s13  }
0x5b: {  	s14 =	smul.u32 $0x6000, s14  }
0x5c: {  	s12 =	smul.u32 $0x300, s12;
	s15 =	sshrl.u32 s15, $0x9;
	s17 =	sshrl.u32 s29, $0x9  }
0x5d: {  	s15 =	sand.u32 $0x7, s15;
	s17 =	smul.u32 $0x300, s17  }
0x5e: {  	s15 =	smul.u32 $0x60, s15  }
.Ltmp5:
0x5f: {  	s14 =	sadd.s32 s3, s14;
	s13 =	ssub.s32 s13, s17;
	(pc) =	sbr.rel .LBB1_7-.Ltmp5, $4  }
0x60: {  	s12 =	sadd.s32 s12, s14;
	s30 =	sand.u32 $0x7, s13  }
0x61: {  	s12 =	sadd.s32 s15, s12;
	s13 =	sshrl.u32 s13, $0x3;
	s14 =	sshll.u32 s30, $0x12  }
0x62: {  	s12 =	sadd.s32 s13, s12;
	s31 =	sor.u32 $0x200, s14  }
0x63: {  	[hbm4b:s12+s31] =	stream.strided.scatter [tilespmem:s16], [sflag:$0x2], $0x4000, s6, s31, $0x38;
	[tilespmem:$0x10000] =	vst v63  }
.LBB1_8:
0x64: {  	_ =	sfence.sel $0x180000  }
0x65: {  	s2 =	simm.s32 $0x1;
	[bflag:$0x0] =	sbarrier.arrive $0xFFFF  }
0x66: {  	s31 =	simm.s32 $0x2;
	[sflag:s2] =	ssyncpa.u1 $0x1  }
0x67: {  	[sflag:s31] =	ssyncpa.u1 $0x1  }
0x68: {  	p0 =	sne.s32 s1, $0x0;
	_ =	strace $0x90000047  }
0x69: {  	s0 =	sadd.s32 @!p0 $0x100000, s0;
	[bflag:$0x2] =	sbarrier.arrive $0xFFFF  }
0x6a: {  	[sflag:s0] =	ssyncadd.tile.s32 @!p0 $0x1;
	_ =	shalt  }
.Lfunc_end1:
_tile_overlayer_lowered:
.L_overlay_start_2:
0x6b: {  	(tag) =	ssettag $0x2  }
0x6c: {  	s0 =	rddreg [dreg:$0x0];
	s2 =	stileid.u32  }
0x6d: {  	s1 =	rddreg [dreg:$0x1];
	p0 =	sne.s32 s2, $0x0  }
0x6e: {  	s3 =	rddreg [dreg:$0x2];
	[bflag:$0x3] =	sbarrier.arrive $0xFFFF;
	s2 =	simm.s32 @!p0 $0x1C01  }
0x6f: {  	[timem:s3], [sflag:s2] =	dma.local @!p0 [hbm:s0], s1  }
0x70: {  	s0 =	simm.s32 @!p0 $0x1  }
0x71: {  	_ =	swait.ge @!p0 [sflag:s0], s1  }
0x72: {  	s1 =	ssub.s32 @!p0 $0x0, s1;
	[sflag:s0] =	ssyncset.done @!p0 $0x0  }
0x73: {  	[sflag:s0] =	ssyncadd.s32 @!p0 s1  }
0x74: {  	[bflag:$0x3] =	sbarrier.arrive $0xFFFF  }
0x75: {  	_ =	shalt  }

// kernel: sparse-core-data-format-call.cloned.1.call-start
scs
called_computation_lowered:
.L_overlay_start_0:
0x0: {  	s2 =	sld [smem:$0x3FD9]  }
0x1: {  	s3 =	sld [smem:$0x3FFE];
	_ =	sdelay $0x1  }
0x2: {  	s1 =	srdreg.scid  }
0x3: {  	s0 =	sand.u32 $0x1, s1  }
0x4: {  	s18 =	sshll.u32 s0, $0xA;
	s2 =	sadd.s32 s3, s2  }
0x5: {  	s2 =	sadd.s32 s2, s18  }
0x6: {  	[smem:$0x3FC4] =	sst s2  }
0x7: {  	_ = 	snop  }
0x8: {  	s2 =	sld [smem:$0x3FD0];
	(tm) =	ssettm $0x1  }
0x9: {  	s19 =	sld [smem:$0x3FFB];
	_ =	sdelay $0x3  }
0xa: {  	_ =	strace s19  }
0xb: {  	s3 =	sld [smem:$0x3FFC];
	_ =	sdelay $0x3  }
0xc: {  	_ =	strace s3  }
0xd: {  	s3 =	sld [smem:$0x3FFD];
	_ =	sdelay $0x3  }
0xe: {  	_ =	strace s3  }
0xf: {  	_ =	strace $0x8FFFFFFF  }
0x10: {  	s20 =	sld [smem:$0x3FDB];
	_ =	sdelay $0x1  }
0x11: {  	s4 =	simm.s32 $_scs_section_size  }
0x12: {  	s5 =	simm.s32 $_size__tile_overlayer_lowered;
	s6 =	simm.s32 $_tile_overlayer_lowered  }
0x13: {  	s23 =	simm.s32 $0x1BFF;
	s22 =	sshll.u32 s6, $0x1;
	s3 =	sadd.s32 s4, s20  }
0x14: {  	s7 =	simm.s32 $0x0;
	s21 =	sshll.u32 s5, $0x1;
	s5 =	sadd.s32 s22, s3  }
0x15: {  	[timem:s7], [sflag:s23] =	dma.local [hbm:s5], s21  }
0x16: {  	_ =	swait.ge [sflag:s23], s21  }
0x17: {  	s4 =	ssub.s32 $0x0, s21;
	[sflag:s23] =	ssyncset.done $0x0  }
0x18: {  	[sflag:s23] =	ssyncadd.s32 s4;
	_ =	sdelay $0x1  }
0x19: {  	s24 =	simm.s32 $0x1B8B  }
0x1a: {  	_ =	swait.ge [sflag:s24], $0x1  }
0x1b: {  	[sflag:s24] =	ssyncset.done $0x0  }
0x1c: {  	s26 =	simm.s32 $0x1B8E;
	s25 =	sld [smem:$0x3FFE];
	[sflag:s24] =	ssyncadd.s32 $0xFFFFFFFF  }
0x1d: {  	s27 =	simm.s32 $execute0_lowered;
	[smem:$0x3FD2] =	sst s26  }
0x1e: {  	s5 =	sshll.u32 s27, $0x1;
	_ =	strace $0x80000049;
	[dreg:$0x1] =	wrdreg $0xFFFFFFFF  }
0x1f: {  	s28 =	simm.s32 $_size_execute0_lowered;
	s3 =	sadd.s32 s3, s5;
	[dreg:$0x0] =	wrdreg $0x0  }
0x20: {  	s5 =	sshll.u32 s28, $0x1;
	[dreg:$0x2] =	wrdreg s3  }
0x21: {  	[dreg:$0x3] =	wrdreg s5  }
0x22: {  	[dreg:$0x4] =	wrdreg $0xC0  }
0x23: {  	_ =	task [dreg:s7], $0x5FFFF  }
0x24: {  	[dreg:$0x1] =	wrdreg $0xFFFFFFFF  }
0x25: {  	[dreg:$0x0] =	wrdreg $0x60  }
0x26: {  	[dreg:$0x2] =	wrdreg s25  }
0x27: {  	[dreg:$0x3] =	wrdreg s2  }
0x28: {  	[dreg:$0x4] =	wrdreg $0x9  }
0x29: {  	_ =	task.clear_ibuf [dreg:s7], $0x5FFFF;
	_ =	strace $0x90000049  }
0x2a: {  	s29 =	simm.s32 $0x9;
	_ =	strace $0x8000004B  }
0x2b: {  	_ =	swait.ge [sflag:s29], $0x1  }
0x2c: {  	[sflag:s29] =	ssyncadd.s32 $0xFFFFFFFF  }
0x2d: {  	_ =	strace $0x9000004B  }
0x2e: {  	_ =	sfence  }
0x2f: {  	s30 =	sld [smem:$0x0];
	_ =	sdelay $0x2  }
0x30: {  	s31 =	sshll.u32 s1, $0xD;
	s1 =	sshrl.u32 s1, $0x2  }
0x31: {  	s3 =	sand.u32 $0x4000, s31;
	s1 =	sadd.s32 s1, s30  }
0x32: {  	s0 =	sor.u32 s3, s0;
	s1 =	sshll.u32 s1, $0x11  }
0x33: {  	s0 =	sor.u32 s1, s0  }
0x34: {  	s0 =	sadd.s32 $0x8F2B, s0  }
0x35: {  	[sflag:s0] =	ssyncadd.remote.s32 $0x1  }
0x36: {  	_ =	sfence.sel $0xFFFF  }
0x37: {  	[dreg:$0x0] =	wrdreg $0xFFFFFFFF;
	(pc) =	sbr.abs _section_cstart, $3  }
0x38: {  	[dreg:$0x1] =	wrdreg $0xFFFFFFFF  }
0x39: {  	_ =	task.clear_ibuf [dreg:s7], $0x2FFFF;
	_ =	strace $0x9FFFFFFF  }
0x3a: {  	(tm) =	ssettm $0x7FFFFFFF  }
0x3b: {  	_ =	shalt  }
tec
execute0_lowered:
.L_overlay_start_1:
0x0: {  	(tag) =	ssettag $0x1  }
0x1: {  	s1 =	rddreg [dreg:$0x0]  }
0x2: {  	s2 =	rddreg [dreg:$0x1]  }
0x3: {  	s0 =	rddreg [dreg:$0x2];
	_ =	strace $0x8000004A;
	s4 =	srdreg.scid  }
0x4: {  	s6 =	simm.s32 $0x2;
	s13 =	simm.s32 $0x0;
	p0 =	por $0x0, $0x0  }
0x5: {  	s12 =	simm.s32 $0x0;
	s15 =	simm.s32 $0x0;
	s14 =	simm.s32 $0x0  }
.Ltmp0:
0x6: {  	s8 =	simm.s32 $0x0;
	s9 =	simm.s32 $0x0;
	(pc) =	sbr.rel .LBB1_1-.Ltmp0, $4  }
0x7: {  	s10 =	simm.s32 $0x0;
	s3 =	sadd.s32 $0xE00, s1;
	s5 =	sshll.u32 s4, $0x4  }
0x8: {  	s1 =	stileid.u32;
	s4 =	simm.s32 $0x1;
	s5 =	sand.u32 $0x10, s5  }
0x9: {  	s7 =	simm.s32 $0x0;
	[sflag:s4] =	ssyncpa.u1 $0x0;
	s5 =	sor.u32 s1, s5  }
0xa: {  	[sflag:s6] =	ssyncpa.u1 $0x0;
	s6 =	simm.s32 $0x6000;
	s11 =	smov.u32 s5  }
.LBB1_7:
0xb: {  	s16 =	sadd.s32 $0x100, s8  }
0xc: {  	s12 =	sadd.s32 $0x8, s9;
	s17 =	smov.u32 s9;
	p2 =	sgt.s32 s16, $0x2FF  }
0xd: {  	s17 =	smov.u32 @p2 s12  }
0xe: {  	s18 =	smov.u32 s10;
	s12 =	sadd.s32 $0x8, s10;
	p3 =	sgt.s32 s17, $0x7  }
0xf: {  	s18 =	smov.u32 @p3 s12  }
0x10: {  	s19 =	smov.u32 s11;
	s12 =	sadd.s32 $0x20, s11;
	p4 =	sgt.s32 s18, $0x1F  }
0x11: {  	p1 =	slt.u32 s7, $0x2;
	s19 =	smov.u32 @p4 s12  }
0x12: {  	s7 =	sadd.s32 $0x1, s7;
	s16 =	simm.s32 @p2 $0x0;
	p2 =	sgt.s32 s19, $0xFF  }
0x13: {  	s13 =	smov.u32 s8;
	s19 =	smov.u32 @p2 s5;
	p2 =	sne.s32 s7, $0x62  }
.Ltmp1:
0x14: {  	s15 =	smov.u32 s10;
	s20 =	simm.s32 @!p1 $0x2;
	(pc) =	sbr.rel @!p2 .LBB1_8-.Ltmp1, $4  }
0x15: {  	s14 =	smov.u32 s11;
	p0 =	por !p0, !p0;
	_ =	swait.ge @!p1 [sflag:s20], $0x4000  }
0x16: {  	[sflag:s20] =	ssyncset.done @!p1 $0x0;
	s8 =	smov.u32 s16;
	s17 =	simm.s32 @p3 $0x0  }
0x17: {  	[sflag:s20] =	ssyncadd.s32 @!p1 $0xFFFFC000;
	s18 =	simm.s32 @p4 $0x0;
	s12 =	smov.u32 s9  }
0x18: {  	s9 =	smov.u32 s17;
	s10 =	smov.u32 s18;
	s11 =	smov.u32 s19  }
.LBB1_1:
0x19: {  	p1 =	sgt.u32 s7, $0x5F  }
0x1a: {  	s16 =	sshrl.u32 @!p1 s9, $0x3  }
0x1b: {  	s17 =	sshll.u32 @!p1 s8, $0x3;
	s16 =	smul.u32 @!p1 $0x1800, s16  }
0x1c: {  	s18 =	sshll.u32 @!p1 s9, $0x7;
	s17 =	sand.u32 @!p1 $0xFFFFFC00, s17  }
0x1d: {  	s16 =	sadd.s32 @!p1 s16, s17;
	s17 =	sand.u32 @!p1 $0x380, s18  }
0x1e: {  	s18 =	sand.u32 @!p1 $0x7F, s8;
	s16 =	sor.u32 @!p1 s17, s16  }
0x1f: {  	s17 =	sor.u32 @!p1 s18, s16  }
0x20: {  	s18 =	smulhi.u32 @!p1 $0xAAAAAAAB, s17  }
0x21: {  	s16 =	smulhi.u32 @!p1 $0xAAAAAAAB, s16  }
0x22: {  	s20 =	smul.u32 @!p1 $0x6000, s11;
	s18 =	sshrl.u32 @!p1 s18, $0x9  }
0x23: {  	s19 =	sxor.u32 @!p1 $0xFFFFFFFF, s7;
	s16 =	sshrl.u32 @!p1 s16, $0x9;
	s18 =	smul.u32 @!p1 $0x300, s18  }
0x24: {  	s21 =	smul.u32 @!p1 $0x300, s10;
	s19 =	sshll.u32 @!p1 s19, $0xE;
	s16 =	sand.u32 @!p1 $0x7, s16  }
0x25: {  	s16 =	smul.u32 @!p1 $0x60, s16;
	s17 =	ssub.s32 @!p1 s17, s18;
	s18 =	sadd.s32 @!p1 s3, s20  }
0x26: {  	s19 =	sand.u32 @!p1 $0x4000, s19;
	s18 =	sadd.s32 @!p1 s21, s18;
	s20 =	sand.u32 @!p1 $0x7, s17  }
0x27: {  	s17 =	sshrl.u32 @!p1 s17, $0x3;
	s16 =	sadd.s32 @!p1 s16, s18;
	s18 =	sshll.u32 @!p1 s20, $0x12  }
0x28: {  	s16 =	sadd.s32 @!p1 s17, s16;
	s17 =	sor.u32 @!p1 $0x800, s18;
	s18 =	simm.s32 @!p1 $0x1800  }
0x29: {  	[tilespmem:s19], [sflag:$0x1] =	stream.strided.gather @!p1 [hbm4b:s16+s17], $0x4000, s18, s17, $0x38;
	[tilespmem:$0x10000] =	vst v63  }
0x2a: {  	p1 =	seq.s32 s7, $0x0  }
0x2b: {  	p2 =	seq.s32 @!p1 s7, $0x61  }
0x2c: {  	p1 =	por p1, p2  }
.Ltmp2:
0x2d: {  	_ = 	snop;
	(pc) =	sbr.rel @p1 .LBB1_7-.Ltmp2, $1  }
0x2e: {  	_ =	sdelay $0x3  }
0x2f: {  	s16 =	simm.s32 $0x1;
	_ =	swait.ge [sflag:s4], $0x4000  }
0x30: {  	s31 =	sshll.u32 s7, $0xE;
	s21 =	simm.s32 $0x0;
	p1 =	por $0x0, $0x0  }
0x31: {  	s22 =	simm.s32 $0x0;
	s23 =	simm.s32 $0x0;
	s16 =	simm.s32 @!p0 $0x0  }
0x32: {  	[sflag:s4] =	ssyncset.done $0x0;
	s19 =	sand.u32 $0x4000, s31;
	s16 =	sshll.u32 s16, $0x10  }
0x33: {  	[sflag:s4] =	ssyncadd.s32 $0xFFFFC000;
	s20 =	sshrl.u32 s16, $0x2;
	s16 =	sor.u32 $0x8000, s19  }
0x34: {  	s17 =	sor.u32 $0x40, s20;
	s18 =	sor.u32 $0x8410, s20;
	s20 =	sadd.s32 $0x8400, s20  }
.LBB1_3:
0x35: {  	v1 =	vld [tilespmem:s17+$0xFFFFFFD0]  }
0x36: {  	v2 =	vld [tilespmem:s17+$0x430]  }
0x37: {  	s24 =	sshll.u32 s23, $0xB;
	v4 =	vld [tilespmem:s17+$0xFFFFFFE0]  }
0x38: {  	v7 =	vld [tilespmem:s17+$0xFFFFFFF0];
	v0 =	vmov s24  }
0x39: {  	v8 =	vld [tilespmem:s17+$0x0]  }
0x3a: {  	s30 =	sand.u32 $0x300, s21;
	v9 =	vld [tilespmem:s17+$0x10]  }
0x3b: {  	s25 =	sand.u32 $0x80, s21;
	v10 =	vld [tilespmem:s17+$0x20];
	s24 =	sadd.s32 s30, s19  }
0x3c: {  	v11 =	vld [tilespmem:s17+$0x30];
	s24 =	sadd.s32 s25, s24;
	s25 =	simm.s32 $0x1;
	[tilespmem:s18+$0x60] =	vst v2  }
0x3d: {  	s31 =	sshll.u32 s22, $0x2;
	s25 =	simm.s32 @!p1 $0x0;
	[tilespmem:s18+$0xFFFFFC00] =	vst v1;
	v3 =	vld.idx.msk [tilespmem:v0+s24+$0x400 ss:$0x1], $0xffff  }
0x3e: {  	v6 =	vld [tilespmem:s17+$0x3D0];
	s25 =	sshll.u32 s25, $0x9;
	[tilespmem:s18+$0xFFFFFC10] =	vst v4;
	s24 =	sand.u32 $0xFFFFFC00, s31  }
0x3f: {  	v5 =	vld [tilespmem:s17+$0x3E0];
	[tilespmem:s18+$0xFFFFFC20] =	vst v7;
	s24 =	sor.u32 s25, s24  }
0x40: {  	[tilespmem:s18+$0xFFFFFC30] =	vst v8;
	v4 =	vld [tilespmem:s17+$0x400];
	s24 =	sshrl.u32 s24, $0x2  }
0x41: {  	[tilespmem:s18+$0xFFFFFC40] =	vst v9;
	v1 =	vld [tilespmem:s17+$0x410];
	s24 =	sadd.s32 s24, s20  }
0x42: {  	[tilespmem:s24+$0x0] =	vst v3;
	v3 =	vld [tilespmem:s17+$0x3F0]  }
0x43: {  	s28 =	simm.s32 $0x80;
	s27 =	simm.s32 $0x100;
	[tilespmem:s18+$0xFFFFFC50] =	vst v10;
	v2 =	vld [tilespmem:s17+$0x420]  }
0x44: {  	s26 =	smov.u32 s18;
	s29 =	sand.u32 $0x300, s28;
	v7 =	vld [tilespmem:s17+$0xFFFFFFC0];
	[tilespmem:s18+$0xFFFFFC60] =	vst v11;
	s25 =	sadd.s32 $0x80, s17  }
.LBB1_4:
0x45: {  	p2 =	sne.s32 s27, $0x380;
	v8 =	vld [tilespmem:s25+$0xFFFFFFD0];
	s28 =	sand.u32 $0x80, s28;
	s29 =	sadd.s32 s29, s19;
	[tilespmem:s26+$0x0] =	vst v6  }
0x46: {  	s29 =	sadd.s32 s28, s29;
	v6 =	vld [tilespmem:s25+$0x430];
	[tilespmem:s26+$0x10] =	vst v5;
	s28 =	smov.u32 s27  }
0x47: {  	v5 =	vld.idx.msk [tilespmem:v0+s29+$0x400 ss:$0x1], $0xffff;
	[tilespmem:s26+$0x20] =	vst v3  }
0x48: {  	v3 =	vld [tilespmem:s25+$0xFFFFFFE0];
	[tilespmem:s26+$0x30] =	vst v4  }
0x49: {  	v4 =	vld [tilespmem:s25+$0xFFFFFFF0];
	[tilespmem:s26+$0xFFFFFBF0] =	vst v7  }
0x4a: {  	v7 =	vld [tilespmem:s25+$0x0];
	[tilespmem:s26+$0x40] =	vst v1  }
0x4b: {  	v1 =	vld [tilespmem:s25+$0x10];
	[tilespmem:s26+$0x50] =	vst v2;
	s26 =	sadd.s32 $0x800, s26  }
0x4c: {  	s24 =	sadd.s32 $0x800, s24;
	v2 =	vld [tilespmem:s25+$0x20];
	[tilespmem:s26+$0x60] =	vst v6  }
0x4d: {  	v9 =	vld [tilespmem:s25+$0x30];
	[tilespmem:s24+$0x0] =	vst v5  }
0x4e: {  	[tilespmem:s26+$0xFFFFFC00] =	vst v8;
	v6 =	vld [tilespmem:s25+$0x3D0]  }
0x4f: {  	[tilespmem:s26+$0xFFFFFC10] =	vst v3;
	v5 =	vld [tilespmem:s25+$0x3E0]  }
.Ltmp3:
0x50: {  	[tilespmem:s26+$0xFFFFFC20] =	vst v4;
	v3 =	vld [tilespmem:s25+$0x3F0];
	(pc) =	sbr.rel @p2 .LBB1_4-.Ltmp3, $4  }
0x51: {  	[tilespmem:s26+$0xFFFFFC30] =	vst v7;
	v4 =	vld [tilespmem:s25+$0x400]  }
0x52: {  	[tilespmem:s26+$0xFFFFFC40] =	vst v1;
	v1 =	vld [tilespmem:s25+$0x410]  }
0x53: {  	[tilespmem:s26+$0xFFFFFC50] =	vst v2;
	v2 =	vld [tilespmem:s25+$0x420]  }
0x54: {  	s27 =	sadd.s32 $0x80, s27;
	s29 =	sand.u32 $0x300, s28;
	v7 =	vld [tilespmem:s25+$0xFFFFFFC0];
	[tilespmem:s26+$0xFFFFFC60] =	vst v9;
	s25 =	sadd.s32 $0x80, s25  }
0x55: {  	[tilespmem:s26+$0x0] =	vst v6  }
0x56: {  	[tilespmem:s26+$0x10] =	vst v5  }
0x57: {  	v49 =	vld [tilespmem:s25+$0x430];
	[tilespmem:s26+$0x20] =	vst v3  }
0x58: {  	v50 =	vld [tilespmem:s25+$0xFFFFFFD0];
	[tilespmem:s26+$0x30] =	vst v4  }
0x59: {  	v51 =	vld [tilespmem:s25+$0xFFFFFFE0];
	[tilespmem:s26+$0x40] =	vst v1  }
0x5a: {  	v52 =	vld [tilespmem:s25+$0xFFFFFFF0];
	[tilespmem:s26+$0x50] =	vst v2  }
0x5b: {  	s31 =	sadd.s32 $0x800, s26;
	v53 =	vld [tilespmem:s25+$0x0];
	[tilespmem:s26+$0xFFFFFBF0] =	vst v7  }
0x5c: {  	v54 =	vld [tilespmem:s25+$0x10];
	[tilespmem:s31+$0x60] =	vst v49  }
0x5d: {  	v55 =	vld [tilespmem:s25+$0x20];
	[tilespmem:s31+$0xFFFFFC00] =	vst v50  }
0x5e: {  	v56 =	vld [tilespmem:s25+$0x30];
	[tilespmem:s31+$0xFFFFFC10] =	vst v51  }
0x5f: {  	v57 =	vld [tilespmem:s25+$0x3D0];
	[tilespmem:s31+$0xFFFFFC20] =	vst v52  }
0x60: {  	v58 =	vld [tilespmem:s25+$0x3E0];
	[tilespmem:s31+$0xFFFFFC30] =	vst v53  }
0x61: {  	v59 =	vld [tilespmem:s25+$0x3F0];
	[tilespmem:s31+$0xFFFFFC40] =	vst v54  }
0x62: {  	v60 =	vld [tilespmem:s25+$0x400];
	[tilespmem:s31+$0xFFFFFC50] =	vst v55  }
0x63: {  	v61 =	vld [tilespmem:s25+$0xFFFFFFC0];
	[tilespmem:s31+$0xFFFFFC60] =	vst v56  }
0x64: {  	s27 =	sand.u32 $0x80, s28;
	s30 =	sadd.s32 s29, s19;
	v62 =	vld [tilespmem:s25+$0x410];
	[tilespmem:s31+$0x0] =	vst v57  }
0x65: {  	v63 =	vld [tilespmem:s25+$0x420];
	s23 =	sadd.s32 $0x1, s23;
	s27 =	sadd.s32 s27, s30;
	[tilespmem:s31+$0x10] =	vst v58  }
0x66: {  	p2 =	sne.s32 s23, $0x8;
	v0 =	vld.idx.msk [tilespmem:v0+s27+$0x400 ss:$0x1], $0xffff;
	[tilespmem:s31+$0x20] =	vst v59  }
.Ltmp4:
0x67: {  	[tilespmem:s31+$0x30] =	vst v60;
	(pc) =	sbr.rel @p2 .LBB1_3-.Ltmp4, $4  }
0x68: {  	[tilespmem:s31+$0xFFFFFBF0] =	vst v61  }
0x69: {  	[tilespmem:s31+$0x40] =	vst v62  }
0x6a: {  	s24 =	sadd.s32 $0x800, s24;
	s17 =	sadd.s32 $0x800, s17;
	[tilespmem:s31+$0x50] =	vst v63  }
0x6b: {  	s22 =	sadd.s32 $0x80, s22;
	p1 =	por !p1, !p1;
	s18 =	sadd.s32 $0x80, s18;
	[tilespmem:s24+$0x0] =	vst v0  }
0x6c: {  	s17 =	sshrl.u32 s15, $0x3  }
0x6d: {  	s18 =	sshll.u32 s13, $0x3;
	s17 =	smul.u32 $0x1800, s17  }
0x6e: {  	s27 =	sshll.u32 s15, $0x7;
	s18 =	sand.u32 $0xFFFFFC00, s18  }
0x6f: {  	s15 =	sand.u32 $0x380, s27;
	s17 =	sadd.s32 s17, s18  }
0x70: {  	s28 =	sand.u32 $0x7F, s13;
	s15 =	sor.u32 s15, s17  }
0x71: {  	s13 =	sor.u32 s28, s15;
	s15 =	smulhi.u32 $0xAAAAAAAB, s15  }
0x72: {  	s29 =	smulhi.u32 $0xAAAAAAAB, s13  }
0x73: {  	s14 =	smul.u32 $0x6000, s14  }
0x74: {  	s12 =	smul.u32 $0xC00, s12;
	s15 =	sshrl.u32 s15, $0x9;
	s17 =	sshrl.u32 s29, $0x9  }
0x75: {  	s15 =	sand.u32 $0x1F, s15;
	s17 =	smul.u32 $0x300, s17  }
0x76: {  	s15 =	smul.u32 $0x60, s15  }
.Ltmp5:
0x77: {  	s14 =	sadd.s32 s2, s14;
	s13 =	ssub.s32 s13, s17;
	(pc) =	sbr.rel .LBB1_7-.Ltmp5, $4  }
0x78: {  	s12 =	sadd.s32 s12, s14;
	s30 =	sand.u32 $0x7, s13  }
0x79: {  	s12 =	sadd.s32 s15, s12;
	s13 =	sshrl.u32 s13, $0x3;
	s14 =	sshll.u32 s30, $0x12  }
0x7a: {  	s12 =	sadd.s32 s13, s12;
	s31 =	sor.u32 $0x800, s14  }
0x7b: {  	[hbm4b:s12+s31] =	stream.strided.scatter [tilespmem:s16], [sflag:$0x2], $0x4000, s6, s31, $0x38;
	[tilespmem:$0x10000] =	vst v63  }
.LBB1_8:
0x7c: {  	_ =	sfence.sel $0x180000  }
0x7d: {  	s2 =	simm.s32 $0x1;
	[bflag:$0x0] =	sbarrier.arrive $0xFFFF  }
0x7e: {  	s31 =	simm.s32 $0x2;
	[sflag:s2] =	ssyncpa.u1 $0x1  }
0x7f: {  	[sflag:s31] =	ssyncpa.u1 $0x1  }
0x80: {  	p0 =	sne.s32 s1, $0x0;
	_ =	strace $0x9000004A  }
0x81: {  	s0 =	sadd.s32 @!p0 $0x100000, s0;
	[bflag:$0x2] =	sbarrier.arrive $0xFFFF  }
0x82: {  	[sflag:s0] =	ssyncadd.tile.s32 @!p0 $0x1;
	_ =	shalt  }
.Lfunc_end1:
_tile_overlayer_lowered:
.L_overlay_start_2:
0x83: {  	(tag) =	ssettag $0x2  }
0x84: {  	s0 =	rddreg [dreg:$0x0];
	s2 =	stileid.u32  }
0x85: {  	s1 =	rddreg [dreg:$0x1];
	p0 =	sne.s32 s2, $0x0  }
0x86: {  	s3 =	rddreg [dreg:$0x2];
	[bflag:$0x3] =	sbarrier.arrive $0xFFFF;
	s2 =	simm.s32 @!p0 $0x1C01  }
0x87: {  	[timem:s3], [sflag:s2] =	dma.local @!p0 [hbm:s0], s1  }
0x88: {  	s0 =	simm.s32 @!p0 $0x1  }
0x89: {  	_ =	swait.ge @!p0 [sflag:s0], s1  }
0x8a: {  	s1 =	ssub.s32 @!p0 $0x0, s1;
	[sflag:s0] =	ssyncset.done @!p0 $0x0  }
0x8b: {  	[sflag:s0] =	ssyncadd.s32 @!p0 s1  }
0x8c: {  	[bflag:$0x3] =	sbarrier.arrive $0xFFFF  }
0x8d: {  	_ =	shalt  }

</sc_bundles>
